<compile_context>
chip_gen: v7x
topology: tpu7x:2x2x1
jax: 0.10.2.dev20260603
libtpu: 0.0.44.dev20260713+nightly
codegen_flags: <defaults>
</compile_context>

<pallas_src>
import functools

import jax
import jax.numpy as jnp
import numpy as np
from jax import lax
from jax.experimental import pallas as pl
from jax.experimental.pallas import tpu as pltpu
from jax.experimental.pallas import tpu_sc as plsc

N_TOKENS = 1024
K_CODES = 1024
D_MODEL = 1024
MASK_TOKEN_ID = K_CODES
CHOICE_TEMPERATURE = 4.5
RATIO = 0.5

_MASK_RATIO = 0.5 * (1.0 + np.cos(np.pi * RATIO))
_TEMPERATURE = float(CHOICE_TEMPERATURE * (1.0 - _MASK_RATIO))
_MASK_RATIO_Z = 0.0 if _MASK_RATIO < 1e-08 else _MASK_RATIO
_MASK_LEN = int(np.floor(512 * _MASK_RATIO_Z))

_NC = 2
_NS = 16
_NW = _NC * _NS
_BPW = N_TOKENS // _NW


def _sc_gather_body(emb_hbm, z_hbm, m_hbm, out_hbm, z_v, m_v, idx_v, rows_v, sem):
    wid = lax.axis_index("s") * _NC + lax.axis_index("c")
    base = wid * _BPW
    pltpu.sync_copy(z_hbm.at[pl.ds(base, _BPW)], z_v)
    pltpu.sync_copy(m_hbm.at[pl.ds(base, _BPW)], m_v)
    for k in range(_BPW // 16):
        zk = z_v[pl.ds(k * 16, 16)]
        mk = m_v[pl.ds(k * 16, 16)]
        idx_v[pl.ds(k * 16, 16)] = jnp.where(mk != 0, MASK_TOKEN_ID, zk)
    pltpu.async_copy(emb_hbm.at[idx_v], rows_v, sem).wait()
    pltpu.sync_copy(rows_v, out_hbm.at[pl.ds(base, _BPW)])


@functools.cache
def _sc_gather():
    return pl.kernel(
        _sc_gather_body,
        out_type=jax.ShapeDtypeStruct((N_TOKENS, D_MODEL), jnp.float32),
        mesh=plsc.VectorSubcoreMesh(core_axis_name="c", subcore_axis_name="s"),
        scratch_types=[
            pltpu.VMEM((_BPW,), jnp.int32),
            pltpu.VMEM((_BPW,), jnp.int32),
            pltpu.VMEM((_BPW,), jnp.int32),
            pltpu.VMEM((_BPW, D_MODEL), jnp.float32),
            pltpu.SemaphoreType.DMA,
        ],
    )


def _tc_body(h_ref, w_ref, b_ref, z_ref, mrow_ref, grow_ref, mcol_ref, gcol_ref,
             zp_ref, msel_ref, conf_ref):
    n = N_TOKENS
    logits = jnp.dot(h_ref[...], w_ref[...], preferred_element_type=jnp.float32)
    logits = logits + b_ref[...]
    m = jnp.max(logits, axis=1, keepdims=True)
    e = jnp.exp(logits - m)
    s = jnp.sum(e, axis=1, keepdims=True)
    q = e / s
    zpp_col = jnp.max(q, axis=1, keepdims=True)
    ii = lax.broadcasted_iota(jnp.int32, (n, n), 1)
    jj = lax.broadcasted_iota(jnp.int32, (n, n), 0)
    am_col = jnp.min(jnp.where(q == zpp_col, ii, n), axis=1, keepdims=True)

    eye = ii == jj
    ones_row = jnp.ones((1, n), jnp.float32)
    zpp_row = jnp.dot(ones_row, jnp.where(eye, zpp_col, 0.0),
                      precision=lax.Precision.HIGHEST,
                      preferred_element_type=jnp.float32)
    am_row = jnp.dot(ones_row, jnp.where(eye, am_col.astype(jnp.float32), 0.0),
                     precision=lax.Precision.HIGHEST,
                     preferred_element_type=jnp.float32).astype(jnp.int32)

    mrow = mrow_ref[...] != 0
    zp_ref[...] = jnp.where(mrow, am_row, z_ref[...])
    conf_row = jnp.where(mrow, zpp_row + _TEMPERATURE * grow_ref[...], jnp.inf)
    conf_ref[...] = conf_row
    conf_col = jnp.where(mcol_ref[...] != 0, zpp_col + _TEMPERATURE * gcol_ref[...],
                         jnp.inf)

    cmp = (conf_col < conf_row) | ((conf_col == conf_row) & (jj < ii))
    rank_row = jnp.sum(cmp.astype(jnp.int32), axis=0, keepdims=True)
    msel_ref[...] = ((rank_row < _MASK_LEN) & mrow).astype(jnp.int32)


def kernel(z_indices, mask_b, mask_num, emb, W, b):
    del mask_num
    g_row = jax.random.gumbel(jax.random.key(42), (1, N_TOKENS), jnp.float32)
    mask_i = mask_b.astype(jnp.int32)
    h = _sc_gather()(emb, z_indices.reshape(N_TOKENS), mask_i.reshape(N_TOKENS))
    zp, msel, conf = pl.pallas_call(
        _tc_body,
        out_shape=(
            jax.ShapeDtypeStruct((1, N_TOKENS), jnp.int32),
            jax.ShapeDtypeStruct((1, N_TOKENS), jnp.int32),
            jax.ShapeDtypeStruct((1, N_TOKENS), jnp.float32),
        ),
    )(h, W, b.reshape(1, K_CODES), z_indices, mask_i, g_row,
      mask_i.reshape(N_TOKENS, 1), g_row.reshape(N_TOKENS, 1))
    return zp, msel.astype(bool), conf

# --- scband reference (transcript-rebuilt; emitter-appended) ---
"""Pipeline reference for scband-mask-git-32280974197462 (READ-ONLY COPY).

The authoritative reference and input builder live on the scoring server;
editing this copy changes nothing except your own understanding.
"""

import jax, jax.numpy as jnp
import numpy as np

N_TOKENS = 1024
K_CODES = 1024
D_MODEL = 1024
MASK_TOKEN_ID = K_CODES
CHOICE_TEMPERATURE = 4.5
RATIO = 0.5  # scalar float arg of original inpainting(); fixed here


def setup_inputs(seed: int = 0) -> dict:
    key = jax.random.key(seed)
    k1, k2, k3, k4 = jax.random.split(key, 4)
    z_indices = jax.random.randint(k1, (1, N_TOKENS), 0, K_CODES)
    mask_b = jax.random.randint(k2, (1, N_TOKENS), 0, 2).astype(bool)
    # learned parameters: token embedding table (codebook + mask token) and
    # output projection producing logits over the codebook (stand-in for the
    # BidirectionalTransformer, keeping gather -> matmul -> softmax structure)
    emb = jax.random.normal(k3, (K_CODES + 1, D_MODEL), dtype=jnp.float32) * 0.02
    W = jax.random.normal(k4, (D_MODEL, K_CODES), dtype=jnp.float32) * 0.02
    b = jnp.zeros((K_CODES,), dtype=jnp.float32)
    return {"z_indices": z_indices, "mask_b": mask_b, "mask_num": 512,
            "emb": emb, "W": W, "b": b}


def gamma_cosine(r):
    return 0.5 * (1.0 + np.cos(np.pi * r))


def reference(z_indices, mask_b, mask_num, emb, W, b):
    # z_masked_indices = where(mask_b, mask_token_id, z_indices)
    z_masked = jnp.where(mask_b, MASK_TOKEN_ID, z_indices)
    # transformer(z_masked_indices): embedding lookup + output projection
    h = jnp.take(emb, z_masked, axis=0)               # [1, N, D]
    logits = jnp.einsum('bnd,dk->bnk', h, W) + b      # [1, N, K]
    probs = jax.nn.softmax(logits, axis=-1)
    z_pred_prob = jnp.max(probs, axis=-1)             # [1, N]
    z_pred = jnp.argmax(probs, axis=-1)               # [1, N]
    z_pred = jnp.where(mask_b, z_pred, z_indices)
    mask_ratio = gamma_cosine(RATIO)
    # Gumbel(0,1) noise (deterministic key for reproducibility)
    g = jax.random.gumbel(jax.random.key(42), z_pred_prob.shape, dtype=z_pred_prob.dtype)
    temperature = CHOICE_TEMPERATURE * (1.0 - mask_ratio)
    confidence = z_pred_prob + temperature * g
    # keep confidence where masked, +inf where already-known tokens
    confidence = jnp.where(mask_b, confidence, jnp.inf)
    confidence = confidence + 0.0 * jnp.asarray(mask_num, confidence.dtype)
    mask_ratio = 0.0 if mask_ratio < 1e-08 else mask_ratio
    MASK_NUM_STATIC = 512
    mask_len = int(np.floor(MASK_NUM_STATIC * mask_ratio))
    # topk(confidence, mask_len, largest=False) -> smallest via top_k of negated
    _, confidence_sorted_indice = jax.lax.top_k(-confidence, mask_len)  # [1, mask_len]
    mask_bc = jnp.zeros_like(mask_b)
    mask_bc = mask_bc.at[0, jnp.squeeze(confidence_sorted_indice, axis=0)].set(True)
    mask_bc = jnp.logical_and(mask_bc, mask_b)
    return (z_pred, mask_bc, confidence)

if __name__ == "__main__":
    import jax
    _d = setup_inputs()
    print(jax.jit(kernel)(*tuple(_d.values())))

</pallas_src>

<mosaic_0001>
#map = affine_map<(d0, d1) -> (0, 0)>
#map1 = affine_map<(d0, d1) -> (0)>
module attributes {stable_mosaic.version = 14 : i64} {
  func.func @_sc_gather_body(%arg0: i32, %arg1: i32, %arg2: memref<1025x1024xf32, #tpu.memory_space<hbm>>, %arg3: memref<1024xi32, #tpu.memory_space<hbm>>, %arg4: memref<1024xi32, #tpu.memory_space<hbm>>, %arg5: memref<1024x1024xf32, #tpu.memory_space<hbm>>, %arg6: memref<32xi32, #tpu.memory_space<vmem>>, %arg7: memref<32xi32, #tpu.memory_space<vmem>>, %arg8: memref<32xi32, #tpu.memory_space<vmem>>, %arg9: memref<32x1024xf32, #tpu.memory_space<vmem>>, %arg10: memref<!tpu.dma_semaphore, #tpu.memory_space<semaphore_mem>>) attributes {dimension_semantics = [#tpu.dimension_semantics<core_parallel>, #tpu.dimension_semantics<subcore_parallel>], iteration_bounds = array<i64: 2, 16>, scalar_prefetch = 0 : i64, scratch_operands = 5 : i64, tpu.core_type = #tpu.core_type<sc_vector_subcore>, window_params = [{transform_indices = #map}, {transform_indices = #map1}, {transform_indices = #map1}, {transform_indices = #map}]} {
    %mul3A = arith.constant 2 : i32
    %mul3A_0 = arith.muli %arg1, %mul3A : i32
    %add3A = arith.addi %mul3A_0, %arg0 : i32
    %mul3A_1 = arith.constant 32 : i32
    %mul3A_2 = arith.muli %add3A, %mul3A_1 : i32
    "tpu.region"() ({
      %run_scoped3A = tpu.sem_alloc : memref<!tpu.dma_semaphore, #tpu.memory_space<semaphore_mem>>
      %dma_start3A_33 = tpu.memref_slice %arg3[%mul3A_2] : memref<1024xi32, #tpu.memory_space<hbm>> -> memref<32xi32, #tpu.memory_space<hbm>>
      %dma_start3A_34 = tpu.memref_slice %arg3[%mul3A_2] : memref<1024xi32, #tpu.memory_space<hbm>> -> memref<32xi32, #tpu.memory_space<hbm>>
      tpu.enqueue_dma source(%dma_start3A_34 : memref<32xi32, #tpu.memory_space<hbm>>) target(%arg6 : memref<32xi32, #tpu.memory_space<vmem>>) target_semaphore(%run_scoped3A : memref<!tpu.dma_semaphore, #tpu.memory_space<semaphore_mem>>)
      %dma_wait3A_35 = tpu.memref_slice %arg3[%mul3A_2] : memref<1024xi32, #tpu.memory_space<hbm>> -> memref<32xi32, #tpu.memory_space<hbm>>
      %dma_wait3A_36 = tpu.memref_slice %arg3[%mul3A_2] : memref<1024xi32, #tpu.memory_space<hbm>> -> memref<32xi32, #tpu.memory_space<hbm>>
      tpu.wait_dma2 semaphore(%run_scoped3A : memref<!tpu.dma_semaphore, #tpu.memory_space<semaphore_mem>>) src(%dma_wait3A_36 : memref<32xi32, #tpu.memory_space<hbm>>) dst(%arg6 : memref<32xi32, #tpu.memory_space<vmem>>)
      tpu.yield
    }) : () -> ()
    "tpu.region"() ({
      %run_scoped3A = tpu.sem_alloc : memref<!tpu.dma_semaphore, #tpu.memory_space<semaphore_mem>>
      %dma_start3A_33 = tpu.memref_slice %arg4[%mul3A_2] : memref<1024xi32, #tpu.memory_space<hbm>> -> memref<32xi32, #tpu.memory_space<hbm>>
      %dma_start3A_34 = tpu.memref_slice %arg4[%mul3A_2] : memref<1024xi32, #tpu.memory_space<hbm>> -> memref<32xi32, #tpu.memory_space<hbm>>
      tpu.enqueue_dma source(%dma_start3A_34 : memref<32xi32, #tpu.memory_space<hbm>>) target(%arg7 : memref<32xi32, #tpu.memory_space<vmem>>) target_semaphore(%run_scoped3A : memref<!tpu.dma_semaphore, #tpu.memory_space<semaphore_mem>>)
      %dma_wait3A_35 = tpu.memref_slice %arg4[%mul3A_2] : memref<1024xi32, #tpu.memory_space<hbm>> -> memref<32xi32, #tpu.memory_space<hbm>>
      %dma_wait3A_36 = tpu.memref_slice %arg4[%mul3A_2] : memref<1024xi32, #tpu.memory_space<hbm>> -> memref<32xi32, #tpu.memory_space<hbm>>
      tpu.wait_dma2 semaphore(%run_scoped3A : memref<!tpu.dma_semaphore, #tpu.memory_space<semaphore_mem>>) src(%dma_wait3A_36 : memref<32xi32, #tpu.memory_space<hbm>>) dst(%arg7 : memref<32xi32, #tpu.memory_space<vmem>>)
      tpu.yield
    }) : () -> ()
    %get3A = arith.constant 0 : index
    %get3A_3 = tpu.vector_load %arg6[%get3A] {strides = array<i32>} : memref<32xi32, #tpu.memory_space<vmem>>, vector<16xi32>,
    %get3A_4 = vector.shape_cast %get3A_3 : vector<16xi32> to vector<16xi32>
    %get3A_5 = arith.constant 0 : index
    %get3A_6 = tpu.vector_load %arg7[%get3A_5] {strides = array<i32>} : memref<32xi32, #tpu.memory_space<vmem>>, vector<16xi32>,
    %get3A_7 = vector.shape_cast %get3A_6 : vector<16xi32> to vector<16xi32>
    %ne3A = arith.constant 0 : i32
    %ne3A_8 = vector.broadcast %ne3A : i32 to vector<16xi32>
    %ne3A_9 = arith.cmpi ne, %get3A_7, %ne3A_8 : vector<16xi32>
    %jit3A = arith.constant 1024 : i32
    %broadcast_in_dim3A = vector.broadcast %jit3A : i32 to vector<16xi32>
    %select_n3A = arith.select %ne3A_9, %broadcast_in_dim3A, %get3A_4 : vector<16xi1>, vector<16xi32>
    %swap3A = arith.constant 0 : index
    %swap3A_10 = tpu.vector_load %arg8[%swap3A] {strides = array<i32>} : memref<32xi32, #tpu.memory_space<vmem>>, vector<16xi32>,
    %swap3A_11 = vector.shape_cast %swap3A_10 : vector<16xi32> to vector<16xi32>
    %swap3A_12 = vector.shape_cast %select_n3A : vector<16xi32> to vector<16xi32>
    tpu.vector_store %arg8[%swap3A], %swap3A_12 {strides = array<i32>} : memref<32xi32, #tpu.memory_space<vmem>>, vector<16xi32>,
    %get3A_13 = arith.constant 16 : index
    %get3A_14 = tpu.vector_load %arg6[%get3A_13] {strides = array<i32>} : memref<32xi32, #tpu.memory_space<vmem>>, vector<16xi32>,
    %get3A_15 = vector.shape_cast %get3A_14 : vector<16xi32> to vector<16xi32>
    %get3A_16 = arith.constant 16 : index
    %get3A_17 = tpu.vector_load %arg7[%get3A_16] {strides = array<i32>} : memref<32xi32, #tpu.memory_space<vmem>>, vector<16xi32>,
    %get3A_18 = vector.shape_cast %get3A_17 : vector<16xi32> to vector<16xi32>
    %ne3A_19 = arith.constant 0 : i32
    %ne3A_20 = vector.broadcast %ne3A_19 : i32 to vector<16xi32>
    %ne3A_21 = arith.cmpi ne, %get3A_18, %ne3A_20 : vector<16xi32>
    %jit3A_22 = arith.constant 1024 : i32
    %broadcast_in_dim3A_23 = vector.broadcast %jit3A_22 : i32 to vector<16xi32>
    %select_n3A_24 = arith.select %ne3A_21, %broadcast_in_dim3A_23, %get3A_15 : vector<16xi1>, vector<16xi32>
    %swap3A_25 = arith.constant 16 : index
    %swap3A_26 = tpu.vector_load %arg8[%swap3A_25] {strides = array<i32>} : memref<32xi32, #tpu.memory_space<vmem>>, vector<16xi32>,
    %swap3A_27 = vector.shape_cast %swap3A_26 : vector<16xi32> to vector<16xi32>
    %swap3A_28 = vector.shape_cast %select_n3A_24 : vector<16xi32> to vector<16xi32>
    tpu.vector_store %arg8[%swap3A_25], %swap3A_28 {strides = array<i32>} : memref<32xi32, #tpu.memory_space<vmem>>, vector<16xi32>,
    %dma_start3A = arith.constant 0 : i32
    %dma_start3A_29 = arith.constant 0 : i32
    %dma_start3A_30 = tpu.memref_slice %arg2[%dma_start3A, %dma_start3A_29] : memref<1025x1024xf32, #tpu.memory_space<hbm>> -> memref<1025x1024xf32, #tpu.memory_space<hbm>>
    tpu.enqueue_indirect_dma source(%dma_start3A_30 : memref<1025x1024xf32, #tpu.memory_space<hbm>>) target(%arg9 : memref<32x1024xf32, #tpu.memory_space<vmem>>) offsets(%arg8 : memref<32xi32, #tpu.memory_space<vmem>>) semaphore(%arg10 : memref<!tpu.dma_semaphore, #tpu.memory_space<semaphore_mem>>)
    %dma_wait3A = arith.constant 0 : i32
    %dma_wait3A_31 = arith.constant 0 : i32
    %dma_wait3A_32 = tpu.memref_slice %arg2[%dma_wait3A, %dma_wait3A_31] : memref<1025x1024xf32, #tpu.memory_space<hbm>> -> memref<1025x1024xf32, #tpu.memory_space<hbm>>
    tpu.wait_indirect_dma semaphore(%arg10 : memref<!tpu.dma_semaphore, #tpu.memory_space<semaphore_mem>>) src(%dma_wait3A_32 : memref<1025x1024xf32, #tpu.memory_space<hbm>>) dst(%arg9 : memref<32x1024xf32, #tpu.memory_space<vmem>>)
    "tpu.region"() ({
      %run_scoped3A = tpu.sem_alloc : memref<!tpu.dma_semaphore, #tpu.memory_space<semaphore_mem>>
      %dma_start3A_33 = arith.constant 0 : i32
      %dma_start3A_34 = tpu.memref_slice %arg5[%mul3A_2, %dma_start3A_33] : memref<1024x1024xf32, #tpu.memory_space<hbm>> -> memref<32x1024xf32, #tpu.memory_space<hbm>>
      %dma_start3A_35 = arith.constant 0 : i32
      %dma_start3A_36 = tpu.memref_slice %arg5[%mul3A_2, %dma_start3A_35] : memref<1024x1024xf32, #tpu.memory_space<hbm>> -> memref<32x1024xf32, #tpu.memory_space<hbm>>
      tpu.enqueue_dma source(%arg9 : memref<32x1024xf32, #tpu.memory_space<vmem>>) target(%dma_start3A_36 : memref<32x1024xf32, #tpu.memory_space<hbm>>) target_semaphore(%run_scoped3A : memref<!tpu.dma_semaphore, #tpu.memory_space<semaphore_mem>>)
      %dma_wait3A_37 = arith.constant 0 : i32
      %dma_wait3A_38 = tpu.memref_slice %arg5[%mul3A_2, %dma_wait3A_37] : memref<1024x1024xf32, #tpu.memory_space<hbm>> -> memref<32x1024xf32, #tpu.memory_space<hbm>>
      %dma_wait3A_39 = arith.constant 0 : i32
      %dma_wait3A_40 = tpu.memref_slice %arg5[%mul3A_2, %dma_wait3A_39] : memref<1024x1024xf32, #tpu.memory_space<hbm>> -> memref<32x1024xf32, #tpu.memory_space<hbm>>
      tpu.wait_dma2 semaphore(%run_scoped3A : memref<!tpu.dma_semaphore, #tpu.memory_space<semaphore_mem>>) src(%arg9 : memref<32x1024xf32, #tpu.memory_space<vmem>>) dst(%dma_wait3A_40 : memref<32x1024xf32, #tpu.memory_space<hbm>>)
      tpu.yield
    }) : () -> ()
    return
  }
}

module attributes {stable_mosaic.version = 14 : i64} {
  func.func @_tc_body(%arg0: memref<1024x1024xf32, #tpu.memory_space<vmem>>, %arg1: memref<1024x1024xf32, #tpu.memory_space<vmem>>, %arg2: memref<1x1024xf32, #tpu.memory_space<vmem>>, %arg3: memref<1x1024xi32, #tpu.memory_space<vmem>>, %arg4: memref<1x1024xi32, #tpu.memory_space<vmem>>, %arg5: memref<1x1024xf32, #tpu.memory_space<vmem>>, %arg6: memref<1024x1xi32, #tpu.memory_space<vmem>>, %arg7: memref<1024x1xf32, #tpu.memory_space<vmem>>, %arg8: memref<1x1024xi32, #tpu.memory_space<vmem>>, %arg9: memref<1x1024xi32, #tpu.memory_space<vmem>>, %arg10: memref<1x1024xf32, #tpu.memory_space<vmem>>) attributes {dimension_semantics = [], scalar_prefetch = 0 : i64, scratch_operands = 0 : i64, tpu.core_type = #tpu.core_type<tc>} {
    %get3A = arith.constant 0 : index
    %get3A_0 = arith.constant 0 : index
    %get3A_1 = vector.load %arg0[%get3A, %get3A_0] : memref<1024x1024xf32, #tpu.memory_space<vmem>>, vector<1024x1024xf32>
    %get3A_2 = arith.constant 0 : index
    %get3A_3 = arith.constant 0 : index
    %get3A_4 = vector.load %arg1[%get3A_2, %get3A_3] : memref<1024x1024xf32, #tpu.memory_space<vmem>>, vector<1024x1024xf32>
    %dot_general3A = arith.constant dense<0.000000e+00> : vector<1024x1024xf32>
    %dot_general3A_5 = tpu.matmul %get3A_1, %get3A_4, %dot_general3A {dimension_numbers = #tpu.dot_dimension_numbers<[1], [0], [0], [1], [0, 0, 1, 1], [], []>, transpose_lhs_hint = false} : vector<1024x1024xf32>, vector<1024x1024xf32>, vector<1024x1024xf32> -> vector<1024x1024xf32>
    %get3A_6 = arith.constant 0 : index
    %get3A_7 = arith.constant 0 : index
    %get3A_8 = vector.load %arg2[%get3A_6, %get3A_7] : memref<1x1024xf32, #tpu.memory_space<vmem>>, vector<1x1024xf32>
    %add3A = vector.broadcast %get3A_8 : vector<1x1024xf32> to vector<1024x1024xf32>
    %add3A_9 = arith.addf %dot_general3A_5, %add3A : vector<1024x1024xf32>
    %reduce_max3A = arith.constant dense<0xFF800000> : vector<1024xf32>
    %reduce_max3A_10 = vector.multi_reduction <maximumf>, %add3A_9, %reduce_max3A [1] : vector<1024x1024xf32> to vector<1024xf32>
    %broadcast_in_dim3A = vector.shape_cast %reduce_max3A_10 : vector<1024xf32> to vector<1024x1xf32>
    %sub3A = vector.broadcast %broadcast_in_dim3A : vector<1024x1xf32> to vector<1024x1024xf32>
    %sub3A_11 = arith.subf %add3A_9, %sub3A : vector<1024x1024xf32>
    %exp3A = math.exp %sub3A_11 : vector<1024x1024xf32>
    %reduce_sum3A = arith.constant dense<0.000000e+00> : vector<1024xf32>
    %reduce_sum3A_12 = vector.multi_reduction <add>, %exp3A, %reduce_sum3A [1] : vector<1024x1024xf32> to vector<1024xf32>
    %broadcast_in_dim3A_13 = vector.shape_cast %reduce_sum3A_12 : vector<1024xf32> to vector<1024x1xf32>
    %div3A = vector.broadcast %broadcast_in_dim3A_13 : vector<1024x1xf32> to vector<1024x1024xf32>
    %div3A_14 = arith.divf %exp3A, %div3A : vector<1024x1024xf32>
    %reduce_max3A_15 = arith.constant dense<0xFF800000> : vector<1024xf32>
    %reduce_max3A_16 = vector.multi_reduction <maximumf>, %div3A_14, %reduce_max3A_15 [1] : vector<1024x1024xf32> to vector<1024xf32>
    %broadcast_in_dim3A_17 = vector.shape_cast %reduce_max3A_16 : vector<1024xf32> to vector<1024x1xf32>
    %iota3A = tpu.iota {dimensions = array<i32: 1>} : vector<1024x1024xi32>
    %iota3A_18 = tpu.iota {dimensions = array<i32: 0>} : vector<1024x1024xi32>
    %eq3A = vector.broadcast %broadcast_in_dim3A_17 : vector<1024x1xf32> to vector<1024x1024xf32>
    %eq3A_19 = arith.cmpf oeq, %div3A_14, %eq3A : vector<1024x1024xf32>
    %jit3A = arith.constant 1024 : i32
    %broadcast_in_dim3A_20 = vector.broadcast %jit3A : i32 to vector<1024x1024xi32>
    %select_n3A = arith.select %eq3A_19, %iota3A, %broadcast_in_dim3A_20 : vector<1024x1024xi1>, vector<1024x1024xi32>
    %reduce_min3A = arith.constant dense<2147483647> : vector<1024xi32>
    %reduce_min3A_21 = vector.multi_reduction <minsi>, %select_n3A, %reduce_min3A [1] : vector<1024x1024xi32> to vector<1024xi32>
    %broadcast_in_dim3A_22 = vector.shape_cast %reduce_min3A_21 : vector<1024xi32> to vector<1024x1xi32>
    %eq3A_23 = arith.cmpi eq, %iota3A, %iota3A_18 : vector<1024x1024xi32>
    %broadcast_in_dim3A_24 = arith.constant 1.000000e+00 : f32
    %broadcast_in_dim3A_25 = vector.broadcast %broadcast_in_dim3A_24 : f32 to vector<1x1024xf32>
    %jit3A_26 = arith.constant 0.000000e+00 : f32
    %broadcast_in_dim3A_27 = vector.shape_cast %broadcast_in_dim3A_17 : vector<1024x1xf32> to vector<1024x1xf32>
    %broadcast_in_dim3A_28 = vector.broadcast %broadcast_in_dim3A_27 : vector<1024x1xf32> to vector<1024x1024xf32>
    %broadcast_in_dim3A_29 = vector.broadcast %jit3A_26 : f32 to vector<1024x1024xf32>
    %select_n3A_30 = arith.select %eq3A_23, %broadcast_in_dim3A_28, %broadcast_in_dim3A_29 : vector<1024x1024xi1>, vector<1024x1024xf32>
    %dot_general3A_31 = arith.constant dense<0.000000e+00> : vector<1x1024xf32>
    %dot_general3A_32 = tpu.matmul %broadcast_in_dim3A_25, %select_n3A_30, %dot_general3A_31 {dimension_numbers = #tpu.dot_dimension_numbers<[1], [0], [0], [1], [0, 0, 1, 1], [], []>, precision = #tpu.contract_precision<fp32>, transpose_lhs_hint = false} : vector<1x1024xf32>, vector<1024x1024xf32>, vector<1x1024xf32> -> vector<1x1024xf32>
    %convert_element_type3A = arith.sitofp %broadcast_in_dim3A_22 : vector<1024x1xi32> to vector<1024x1xf32>
    %jit3A_33 = arith.constant 0.000000e+00 : f32
    %broadcast_in_dim3A_34 = vector.shape_cast %convert_element_type3A : vector<1024x1xf32> to vector<1024x1xf32>
    %broadcast_in_dim3A_35 = vector.broadcast %broadcast_in_dim3A_34 : vector<1024x1xf32> to vector<1024x1024xf32>
    %broadcast_in_dim3A_36 = vector.broadcast %jit3A_33 : f32 to vector<1024x1024xf32>
    %select_n3A_37 = arith.select %eq3A_23, %broadcast_in_dim3A_35, %broadcast_in_dim3A_36 : vector<1024x1024xi1>, vector<1024x1024xf32>
    %dot_general3A_38 = arith.constant dense<0.000000e+00> : vector<1x1024xf32>
    %dot_general3A_39 = tpu.matmul %broadcast_in_dim3A_25, %select_n3A_37, %dot_general3A_38 {dimension_numbers = #tpu.dot_dimension_numbers<[1], [0], [0], [1], [0, 0, 1, 1], [], []>, precision = #tpu.contract_precision<fp32>, transpose_lhs_hint = false} : vector<1x1024xf32>, vector<1024x1024xf32>, vector<1x1024xf32> -> vector<1x1024xf32>
    %convert_element_type3A_40 = arith.fptosi %dot_general3A_39 : vector<1x1024xf32> to vector<1x1024xi32>
    %get3A_41 = arith.constant 0 : index
    %get3A_42 = arith.constant 0 : index
    %get3A_43 = vector.load %arg4[%get3A_41, %get3A_42] : memref<1x1024xi32, #tpu.memory_space<vmem>>, vector<1x1024xi32>
    %ne3A = arith.constant 0 : i32
    %ne3A_44 = vector.broadcast %ne3A : i32 to vector<1x1024xi32>
    %ne3A_45 = arith.cmpi ne, %get3A_43, %ne3A_44 : vector<1x1024xi32>
    %get3A_46 = arith.constant 0 : index
    %get3A_47 = arith.constant 0 : index
    %get3A_48 = vector.load %arg3[%get3A_46, %get3A_47] : memref<1x1024xi32, #tpu.memory_space<vmem>>, vector<1x1024xi32>
    %select_n3A_49 = arith.select %ne3A_45, %convert_element_type3A_40, %get3A_48 : vector<1x1024xi1>, vector<1x1024xi32>
    %swap3A = arith.constant 0 : index
    %swap3A_50 = arith.constant 0 : index
    %swap3A_51 = vector.load %arg8[%swap3A, %swap3A_50] : memref<1x1024xi32, #tpu.memory_space<vmem>>, vector<1x1024xi32>
    tpu.vector_store %arg8[%swap3A, %swap3A_50], %select_n3A_49 {strides = array<i32>} : memref<1x1024xi32, #tpu.memory_space<vmem>>, vector<1x1024xi32>,
    %get3A_52 = arith.constant 0 : index
    %get3A_53 = arith.constant 0 : index
    %get3A_54 = vector.load %arg5[%get3A_52, %get3A_53] : memref<1x1024xf32, #tpu.memory_space<vmem>>, vector<1x1024xf32>
    %mul3A = arith.constant 2.250000e+00 : f32
    %mul3A_55 = vector.broadcast %mul3A : f32 to vector<1x1024xf32>
    %mul3A_56 = arith.mulf %mul3A_55, %get3A_54 : vector<1x1024xf32>
    %add3A_57 = arith.addf %dot_general3A_32, %mul3A_56 : vector<1x1024xf32>
    %jit3A_58 = arith.constant 0x7F800000 : f32
    %broadcast_in_dim3A_59 = vector.broadcast %jit3A_58 : f32 to vector<1x1024xf32>
    %select_n3A_60 = arith.select %ne3A_45, %add3A_57, %broadcast_in_dim3A_59 : vector<1x1024xi1>, vector<1x1024xf32>
    %swap3A_61 = arith.constant 0 : index
    %swap3A_62 = arith.constant 0 : index
    %swap3A_63 = vector.load %arg10[%swap3A_61, %swap3A_62] : memref<1x1024xf32, #tpu.memory_space<vmem>>, vector<1x1024xf32>
    tpu.vector_store %arg10[%swap3A_61, %swap3A_62], %select_n3A_60 {strides = array<i32>} : memref<1x1024xf32, #tpu.memory_space<vmem>>, vector<1x1024xf32>,
    %get3A_64 = arith.constant 0 : index
    %get3A_65 = arith.constant 0 : index
    %get3A_66 = vector.load %arg6[%get3A_64, %get3A_65] : memref<1024x1xi32, #tpu.memory_space<vmem>>, vector<1024x1xi32>
    %ne3A_67 = arith.constant 0 : i32
    %ne3A_68 = vector.broadcast %ne3A_67 : i32 to vector<1024x1xi32>
    %ne3A_69 = arith.cmpi ne, %get3A_66, %ne3A_68 : vector<1024x1xi32>
    %get3A_70 = arith.constant 0 : index
    %get3A_71 = arith.constant 0 : index
    %get3A_72 = vector.load %arg7[%get3A_70, %get3A_71] : memref<1024x1xf32, #tpu.memory_space<vmem>>, vector<1024x1xf32>
    %mul3A_73 = arith.constant 2.250000e+00 : f32
    %mul3A_74 = vector.broadcast %mul3A_73 : f32 to vector<1024x1xf32>
    %mul3A_75 = arith.mulf %mul3A_74, %get3A_72 : vector<1024x1xf32>
    %add3A_76 = arith.addf %broadcast_in_dim3A_17, %mul3A_75 : vector<1024x1xf32>
    %jit3A_77 = arith.constant 0x7F800000 : f32
    %broadcast_in_dim3A_78 = vector.broadcast %jit3A_77 : f32 to vector<1024x1xf32>
    %select_n3A_79 = arith.select %ne3A_69, %add3A_76, %broadcast_in_dim3A_78 : vector<1024x1xi1>, vector<1024x1xf32>
    %lt3A = vector.broadcast %select_n3A_79 : vector<1024x1xf32> to vector<1024x1024xf32>
    %lt3A_80 = vector.broadcast %select_n3A_60 : vector<1x1024xf32> to vector<1024x1024xf32>
    %lt3A_81 = arith.cmpf olt, %lt3A, %lt3A_80 : vector<1024x1024xf32>
    %eq3A_82 = vector.broadcast %select_n3A_79 : vector<1024x1xf32> to vector<1024x1024xf32>
    %eq3A_83 = vector.broadcast %select_n3A_60 : vector<1x1024xf32> to vector<1024x1024xf32>
    %eq3A_84 = arith.cmpf oeq, %eq3A_82, %eq3A_83 : vector<1024x1024xf32>
    %lt3A_85 = arith.cmpi slt, %iota3A_18, %iota3A : vector<1024x1024xi32>
    %and3A = arith.andi %eq3A_84, %lt3A_85 : vector<1024x1024xi1>
    %or3A = arith.ori %lt3A_81, %and3A : vector<1024x1024xi1>
    %convert_element_type3A_86 = arith.extui %or3A : vector<1024x1024xi1> to vector<1024x1024xi32>
    %reduce_sum3A_87 = arith.constant dense<0> : vector<1024xi32>
    %reduce_sum3A_88 = vector.multi_reduction <add>, %convert_element_type3A_86, %reduce_sum3A_87 [0] : vector<1024x1024xi32> to vector<1024xi32>
    %broadcast_in_dim3A_89 = vector.shape_cast %reduce_sum3A_88 : vector<1024xi32> to vector<1x1024xi32>
    %lt3A_90 = arith.constant 256 : i32
    %lt3A_91 = vector.broadcast %lt3A_90 : i32 to vector<1x1024xi32>
    %lt3A_92 = arith.cmpi slt, %broadcast_in_dim3A_89, %lt3A_91 : vector<1x1024xi32>
    %and3A_93 = arith.andi %lt3A_92, %ne3A_45 : vector<1x1024xi1>
    %convert_element_type3A_94 = arith.extui %and3A_93 : vector<1x1024xi1> to vector<1x1024xi32>
    %swap3A_95 = arith.constant 0 : index
    %swap3A_96 = arith.constant 0 : index
    %swap3A_97 = vector.load %arg9[%swap3A_95, %swap3A_96] : memref<1x1024xi32, #tpu.memory_space<vmem>>, vector<1x1024xi32>
    tpu.vector_store %arg9[%swap3A_95, %swap3A_96], %convert_element_type3A_94 {strides = array<i32>} : memref<1x1024xi32, #tpu.memory_space<vmem>>, vector<1x1024xi32>,
    return
  }
}

</mosaic_0001>

<sc_bundles>
// kernel: kernel.4.cloned.1.call-start
scs
__scs_entry_jumppad:
0x0: {  	(pc) =	sbr.rel $0x88, $3  }
0x1: {  	(tag) =	ssettag $0x0;
	lr =	simm.s32 $0x1  }
0x2: {  	[smem:$0x3F9C] =	sst lr;
	_ =	strace $0xD0000000  }
0x3: {  	_ = 	snop  }
0x4: {  	_ = 	snop  }
0x5: {  	_ = 	snop  }
0x6: {  	_ = 	snop  }
0x7: {  	_ = 	snop  }
__scs_overlays_trampoline_lowered:
0x8: {  	[smem:$0x3FAB] =	sst s0  }
0x9: {  	[smem:$0x3FAC] =	sst s1  }
0xa: {  	[smem:$0x3FAD] =	sst s2  }
0xb: {  	[smem:$0x3FAE] =	sst s3  }
0xc: {  	[smem:$0x3FAF] =	sst s4  }
0xd: {  	[smem:$0x3FB0] =	sst s5  }
0xe: {  	[smem:$0x3FB1] =	sst s6  }
0xf: {  	[smem:$0x3FB2] =	sst s7  }
0x10: {  	[smem:$0x3FB3] =	sst s8  }
0x11: {  	[smem:$0x3FB4] =	sst s9;
	s0 =	simm.s32 @!p0 $0x0  }
0x12: {  	s1 =	sld [smem:$0x3F9A];
	s0 =	simm.s32 @p0 $0x1  }
0x13: {  	[smem:$0x3FB5] =	sst s0;
	s0 =	simm.s32 @!p1 $0x0  }
0x14: {  	s2 =	sld [smem:$0x3F99];
	s0 =	simm.s32 @p1 $0x1  }
0x15: {  	[smem:$0x3FB6] =	sst s0;
	s0 =	simm.s32 @!p2 $0x0  }
0x16: {  	s3 =	sld [smem:$0x3FDB];
	s0 =	simm.s32 @p2 $0x1  }
0x17: {  	s4 =	simm.s32 $0x1BF5;
	[smem:$0x3FB8] =	sst s0  }
0x18: {  	s0 =	sld [smem:$0x3F9B];
	_ =	swait.ge [sflag:s4], $0x0  }
0x19: {  	s7 =	sld [smem:$0x3F9C]  }
0x1a: {  	s8 =	sadd.s32 $0xFFFFE003, lr  }
0x1b: {  	s9 =	sadd.s32 $0xFFFFFEF7, lr;
	s5 =	simm.s32 $0xFFFFFFFF;
	p2 =	slt.u32 s8, $0xFFFFF086  }
0x1c: {  	p1 =	slt.u32 s9, $0xF7A;
	s5 =	simm.s32 @!p2 $0x0  }
0x1d: {  	s5 =	simm.s32 @p1 $0x1;
	p0 =	seq.s32 s7, s2  }
0x1e: {  	s7 =	smul.u32 @!p0 $0xF7A, s2;
	p2 =	seq.s32 @!p0 s5, $0x0  }
0x1f: {  	s9 =	smul.u32 $0xF7A, s1;
	s8 =	simm.s32 @!p0 $0x1BF5;
	p2 =	por !p2, p0  }
0x20: {  	[sflag:s8] =	ssyncset.s32 @!p0 $0xFFFFF086;
	s6 =	sadd.s32 @!p0 s3, s7;
	s7 =	simm.s32 @!p0 $0x108  }
0x21: {  	s3 =	sadd.s32 s3, s9;
	s6 =	sadd.s32 @!p0 $0x88, s6;
	s7 =	simm.s32 @p2 $0x1082  }
0x22: {  	[simem:s7], [sflag:s8] =	dma.local @!p0 [hbm:s6], $0xF7A  }
0x23: {  	s9 =	sor.u32 $0xD0000000, s2;
	s6 =	simm.s32 $0x108;
	_ =	swait.ge @!p0 [sflag:s8], $0x0  }
0x24: {  	s3 =	sadd.s32 $0x88, s3;
	s6 =	simm.s32 @!p1 $0x1082;
	[sflag:s4] =	ssyncset.s32 $0xFFFFF086  }
0x25: {  	[simem:s6], [sflag:s4] =	dma.local [hbm:s3], $0xF7A  }
0x26: {  	[smem:$0x3F9C] =	sst s1;
	(tag) =	ssettag s2;
	_ =	strace s9  }
0x27: {  	s1 =	sld [smem:$0x3FAC]  }
0x28: {  	s2 =	sld [smem:$0x3FAD]  }
0x29: {  	s4 =	sld [smem:$0x3FAF]  }
0x2a: {  	p0 =	seq.s32 s5, $0x0;
	s5 =	sld [smem:$0x3FB0]  }
0x2b: {  	s6 =	sld [smem:$0x3FB1]  }
0x2c: {  	s7 =	sld [smem:$0x3FB2]  }
0x2d: {  	s3 =	simm.s32 $0x108;
	s8 =	sld [smem:$0x3FB3]  }
0x2e: {  	s3 =	simm.s32 @!p0 $0x1082;
	s9 =	sld [smem:$0x3FB4]  }
0x2f: {  	lr =	sadd.s32 s0, s3;
	s0 =	sld [smem:$0x3FAB]  }
0x30: {  	s3 =	sld [smem:$0x3FAE]  }
0x31: {  	[smem:$0x3FB7] =	sst s10  }
0x32: {  	s10 =	sld [smem:$0x3FB5];
	_ =	sdelay $0x3  }
0x33: {  	p0 =	seq.s32 s10, $0x1;
	s10 =	sld [smem:$0x3FB7];
	_ =	sdelay $0x3  }
0x34: {  	[smem:$0x3FB7] =	sst s10  }
0x35: {  	s10 =	sld [smem:$0x3FB6];
	_ =	sdelay $0x3  }
0x36: {  	p1 =	seq.s32 s10, $0x1;
	s10 =	sld [smem:$0x3FB7];
	_ =	sdelay $0x3  }
0x37: {  	[smem:$0x3FB7] =	sst s10  }
0x38: {  	s10 =	sld [smem:$0x3FB8]  }
0x39: {  	_ = 	snop;
	(pc) =	sbr.ind lr, $3  }
0x3a: {  	_ = 	snop  }
0x3b: {  	_ = 	snop  }
0x3c: {  	p2 =	seq.s32 s10, $0x1;
	s10 =	sld [smem:$0x3FB7]  }
0x3d: {  	_ =	shalt  }
0x3e: {  	_ =	shalt  }
0x3f: {  	_ =	shalt  }
0x40: {  	_ =	shalt  }
0x41: {  	_ =	shalt  }
0x42: {  	_ =	shalt  }
0x43: {  	_ =	shalt  }
0x44: {  	_ =	shalt  }
0x45: {  	_ =	shalt  }
0x46: {  	_ =	shalt  }
0x47: {  	_ =	shalt  }
0x48: {  	_ =	shalt  }
0x49: {  	_ =	shalt  }
0x4a: {  	_ =	shalt  }
0x4b: {  	_ =	shalt  }
0x4c: {  	_ =	shalt  }
0x4d: {  	_ =	shalt  }
0x4e: {  	_ =	shalt  }
0x4f: {  	_ =	shalt  }
0x50: {  	_ =	shalt  }
0x51: {  	_ =	shalt  }
0x52: {  	_ =	shalt  }
0x53: {  	_ =	shalt  }
0x54: {  	_ =	shalt  }
0x55: {  	_ =	shalt  }
0x56: {  	_ =	shalt  }
0x57: {  	_ =	shalt  }
0x58: {  	_ =	shalt  }
0x59: {  	_ =	shalt  }
0x5a: {  	_ =	shalt  }
0x5b: {  	_ =	shalt  }
0x5c: {  	_ =	shalt  }
0x5d: {  	_ =	shalt  }
0x5e: {  	_ =	shalt  }
0x5f: {  	_ =	shalt  }
0x60: {  	_ =	shalt  }
0x61: {  	_ =	shalt  }
0x62: {  	_ =	shalt  }
0x63: {  	_ =	shalt  }
0x64: {  	_ =	shalt  }
0x65: {  	_ =	shalt  }
0x66: {  	_ =	shalt  }
0x67: {  	_ =	shalt  }
0x68: {  	_ =	shalt  }
0x69: {  	_ =	shalt  }
0x6a: {  	_ =	shalt  }
0x6b: {  	_ =	shalt  }
0x6c: {  	_ =	shalt  }
0x6d: {  	_ =	shalt  }
0x6e: {  	_ =	shalt  }
0x6f: {  	_ =	shalt  }
0x70: {  	_ =	shalt  }
0x71: {  	_ =	shalt  }
0x72: {  	_ =	shalt  }
0x73: {  	_ =	shalt  }
0x74: {  	_ =	shalt  }
0x75: {  	_ =	shalt  }
0x76: {  	_ =	shalt  }
0x77: {  	_ =	shalt  }
0x78: {  	_ =	shalt  }
0x79: {  	_ =	shalt  }
0x7a: {  	_ =	shalt  }
0x7b: {  	_ =	shalt  }
0x7c: {  	_ =	shalt  }
0x7d: {  	_ =	shalt  }
0x7e: {  	_ =	shalt  }
0x7f: {  	_ =	shalt  }
0x80: {  	_ =	shalt  }
0x81: {  	_ =	shalt  }
0x82: {  	_ =	shalt  }
0x83: {  	_ =	shalt  }
0x84: {  	_ =	shalt  }
0x85: {  	_ =	shalt  }
0x86: {  	_ =	shalt  }
0x87: {  	_ =	shalt  }
.Lfunc_end0:
.L_simem_size_0:
called_computation_lowered:
.L_overlay_start_0:
0x88: {  	s2 =	sld [smem:$0x3FD9]  }
0x89: {  	s3 =	sld [smem:$0x3FFE];
	_ =	sdelay $0x1  }
0x8a: {  	s1 =	srdreg.scid  }
0x8b: {  	s0 =	sand.u32 $0x1, s1  }
0x8c: {  	s14 =	sshll.u32 s0, $0xA;
	s2 =	sadd.s32 s3, s2  }
0x8d: {  	s2 =	sadd.s32 s2, s14  }
0x8e: {  	[smem:$0x3FC3] =	sst s2  }
0x8f: {  	_ = 	snop  }
0x90: {  	s2 =	sld [smem:$0x3FD0];
	_ =	sdelay $0x1  }
0x91: {  	s15 =	sld [smem:$0x3FC9]  }
0x92: {  	s5 =	simm.s32 $0xA;
	s6 =	simm.s32 $0x10;
	s4 =	sld [smem:$0x3FC7]  }
0x93: {  	[smem:s6], [sflag:s5] =	dma.local [hbm:s2], $0x1  }
0x94: {  	_ =	swait.eq [sflag:s5], $0x1  }
0x95: {  	[sflag:s5] =	ssyncset.done $0x0  }
0x96: {  	[sflag:s5] =	ssyncadd.s32 $0xFFFFFFFF  }
0x97: {  	s16 =	sld [smem:$0x11];
	(tm) =	ssettm $0x1  }
0x98: {  	s17 =	sld [smem:$0x3FFB];
	_ =	sdelay $0x3  }
0x99: {  	_ =	strace s17  }
0x9a: {  	s5 =	sld [smem:$0x3FFC];
	_ =	sdelay $0x3  }
0x9b: {  	_ =	strace s5  }
0x9c: {  	s5 =	sld [smem:$0x3FFD];
	_ =	sdelay $0x3  }
0x9d: {  	_ =	strace s5  }
0x9e: {  	_ =	strace $0x8FFFFFFF  }
0x9f: {  	s18 =	sld [smem:$0x3FDB];
	_ =	sdelay $0x1  }
0xa0: {  	s19 =	simm.s32 $_scs_section_size  }
0xa1: {  	s7 =	simm.s32 $_size__tile_overlayer_lowered;
	s8 =	simm.s32 $_tile_overlayer_lowered  }
0xa2: {  	s22 =	simm.s32 $0x1BFF;
	s21 =	sshll.u32 s8, $0x1;
	s5 =	sadd.s32 s19, s18  }
0xa3: {  	s9 =	simm.s32 $0x0;
	s20 =	sshll.u32 s7, $0x1;
	s7 =	sadd.s32 s21, s5  }
0xa4: {  	[timem:s9], [sflag:s22] =	dma.local [hbm:s7], s20  }
0xa5: {  	_ =	swait.ge [sflag:s22], s20  }
0xa6: {  	s6 =	ssub.s32 $0x0, s20;
	[sflag:s22] =	ssyncset.done $0x0  }
0xa7: {  	[sflag:s22] =	ssyncadd.s32 s6;
	_ =	sdelay $0x1  }
0xa8: {  	s23 =	simm.s32 $0x1B8B  }
0xa9: {  	_ =	swait.ge [sflag:s23], $0x1  }
0xaa: {  	[sflag:s23] =	ssyncset.done $0x0  }
0xab: {  	s25 =	simm.s32 $0x1B8E;
	s24 =	sld [smem:$0x3FFE];
	[sflag:s23] =	ssyncadd.s32 $0xFFFFFFFF  }
0xac: {  	s26 =	simm.s32 $execute0_lowered;
	[smem:$0x3FD2] =	sst s25  }
0xad: {  	s7 =	sshll.u32 s26, $0x1;
	_ =	strace $0x80000046;
	[dreg:$0x1] =	wrdreg $0xFFFFFFFF  }
0xae: {  	s28 =	simm.s32 $_size_execute0_lowered;
	s5 =	sadd.s32 s5, s7;
	[dreg:$0x0] =	wrdreg $0x0  }
0xaf: {  	s7 =	sshll.u32 s28, $0x1;
	[dreg:$0x2] =	wrdreg s5  }
0xb0: {  	[dreg:$0x3] =	wrdreg s7  }
0xb1: {  	[dreg:$0x4] =	wrdreg $0xC0  }
0xb2: {  	_ =	task [dreg:s9], $0x5FFFF  }
0xb3: {  	[dreg:$0x1] =	wrdreg $0xFFFFFFFF  }
0xb4: {  	[dreg:$0x0] =	wrdreg $0x60  }
0xb5: {  	[dreg:$0x2] =	wrdreg s4  }
0xb6: {  	[dreg:$0x3] =	wrdreg s15  }
0xb7: {  	[dreg:$0x4] =	wrdreg s16  }
0xb8: {  	[dreg:$0x5] =	wrdreg s24  }
0xb9: {  	[dreg:$0x6] =	wrdreg $0x9  }
0xba: {  	_ =	task.clear_ibuf [dreg:s9], $0x7FFFF;
	_ =	strace $0x90000046  }
0xbb: {  	s29 =	simm.s32 $0x9;
	_ =	strace $0x80000048  }
0xbc: {  	_ =	swait.ge [sflag:s29], $0x1  }
0xbd: {  	[sflag:s29] =	ssyncadd.s32 $0xFFFFFFFF  }
0xbe: {  	_ =	strace $0x90000048  }
0xbf: {  	_ =	sfence  }
0xc0: {  	s30 =	sld [smem:$0x0];
	_ =	sdelay $0x2  }
0xc1: {  	s31 =	sshll.u32 s1, $0xD;
	s1 =	sshrl.u32 s1, $0x2  }
0xc2: {  	s3 =	sand.u32 $0x4000, s31;
	s1 =	sadd.s32 s1, s30  }
0xc3: {  	s0 =	sor.u32 s3, s0;
	s1 =	sshll.u32 s1, $0x11  }
0xc4: {  	s0 =	sor.u32 s1, s0  }
0xc5: {  	s0 =	sadd.s32 $0x8F2B, s0  }
0xc6: {  	[sflag:s0] =	ssyncadd.remote.s32 $0x1  }
0xc7: {  	_ =	sfence.sel $0xFFFF  }
0xc8: {  	[dreg:$0x0] =	wrdreg $0xFFFFFFFF;
	(pc) =	sbr.abs _section_cstart, $3  }
0xc9: {  	[dreg:$0x1] =	wrdreg $0xFFFFFFFF  }
0xca: {  	_ =	task.clear_ibuf [dreg:s9], $0x2FFFF;
	_ =	strace $0x9FFFFFFF  }
0xcb: {  	(tm) =	ssettm $0x7FFFFFFF  }
tec
execute0_lowered:
.L_overlay_start_1:
0x0: {  	(tag) =	ssettag $0x1  }
0x1: {  	s1 =	rddreg [dreg:$0x0]  }
0x2: {  	s4 =	rddreg [dreg:$0x1]  }
0x3: {  	s5 =	rddreg [dreg:$0x2]  }
0x4: {  	s6 =	rddreg [dreg:$0x3];
	s3 =	srdreg.scid  }
0x5: {  	s0 =	rddreg [dreg:$0x4];
	s2 =	stileid.u32  }
0x6: {  	s11 =	simm.s32 $0x2;
	s12 =	simm.s32 $0x80;
	s13 =	simm.s32 $0x180  }
0x7: {  	s14 =	simm.s32 $0x980;
	s15 =	simm.s32 $0x1180;
	s16 =	simm.s32 $0x1980  }
0x8: {  	s17 =	simm.s32 $0x2180;
	s18 =	simm.s32 $0x2980;
	s19 =	simm.s32 $0x3180  }
0x9: {  	s20 =	simm.s32 $0x3980;
	s21 =	simm.s32 $0x4180;
	s22 =	simm.s32 $0x4980  }
0xa: {  	s23 =	simm.s32 $0x5180;
	s24 =	simm.s32 $0x5980;
	s25 =	simm.s32 $0x6180  }
0xb: {  	s26 =	simm.s32 $0x6980;
	s28 =	simm.s32 $0x7180;
	s29 =	simm.s32 $0x7980  }
0xc: {  	s30 =	simm.s32 $0x1;
	s7 =	sand.u32 $0x1, s3;
	s3 =	simm.s32 $0x0  }
0xd: {  	s8 =	sshll.u32 s2, $0x6;
	s9 =	sshll.u32 s7, $0x5;
	[smem:$0x7FF] =	sst s3  }
0xe: {  	s7 =	ssub.s32 $0x2, s7;
	s8 =	sor.u32 s9, s8;
	_ =	strace $0x80000047  }
0xf: {  	s31 =	sshrl.u32 s7, $0x1;
	s9 =	sshll.u32 s8, $0x7;
	s8 =	sshrl.u32 s8, $0x3  }
0x10: {  	v2 =	vlaneseq.u32;
	s10 =	ssub.s32 s7, s31;
	s7 =	sadd.s32 $0x200, s1;
	s9 =	sadd.s32 s9, s6  }
0x11: {  	vm0 =	vmmov $0xffff;
	v1 =	vshrl.u32 v2, $0x3;
	s4 =	sadd.s32 s4, s8;
	s5 =	sadd.s32 s5, s8;
	s6 =	sadd.s32 $0x100, s1  }
0x12: {  	v0 =	vand.u32 $0x7, v2;
	v2 =	vor.u32 $0x8, v2;
	v1 =	vmul.u32 $0x8, v1;
	s8 =	sadd.s32 $0x300, s1;
	s10 =	smax.u32 s10, $0x1;
	s9 =	sadd.s32 $0x1200, s9  }
.LBB2_1:
0x13: {  	[tilespmem:s3], [sflag:$0x2] =	stream.linear.gather [hbm4b:s4+s3], $0x20, $0x38;
	[tilespmem:$0x8180] =	vst v63  }
0x14: {  	_ =	swait.ge [sflag:s11], $0x20  }
0x15: {  	[sflag:s11] =	ssyncset.done $0x0  }
0x16: {  	[sflag:s11] =	ssyncadd.s32 $0xFFFFFFE0  }
0x17: {  	[tilespmem:s12], [sflag:$0x2] =	stream.linear.gather [hbm4b:s5+s3], $0x20, $0x38;
	[tilespmem:$0x8180] =	vst v63  }
0x18: {  	_ =	swait.ge [sflag:s11], $0x20  }
0x19: {  	[sflag:s11] =	ssyncset.done $0x0  }
0x1a: {  	[sflag:s11] =	ssyncadd.s32 $0xFFFFFFE0  }
0x1b: {  	v3 =	vld [tilespmem:$0x80]  }
0x1c: {  	v4 =	vld [tilespmem:$0x0];
	_ =	sdelay $0x3  }
0x1d: {  	vm1 =	veq.s32 v3, $0x0  }
0x1e: {  	v3 =	vnsel vm1, $0x400, v4  }
0x1f: {  	v4 =	vshll.u32 v3, $0x3  }
0x20: {  	v5 =	vand.u32 $0x7, v3;
	v4 =	vand.u32 $0xFFFFFFC0, v4  }
0x21: {  	v6 =	vld [tilespmem:$0x90];
	v4 =	vor.u32 v5, v4  }
0x22: {  	v62 =	vld [tilespmem:$0x10];
	v7 =	vperm.xlane v4, v0;
	_ =	sdelay $0x1  }
0x23: {  	v7 =	vadd.s32 v1, v7;
	_ =	sdelay $0x1  }
0x24: {  	vm1 =	veq.s32 v6, $0x0  }
0x25: {  	[tilespmem:$0x100] =	vst v3;
	v3 =	vnsel vm1, $0x400, v62  }
0x26: {  	[tilespmem:$0x110] =	vst v3  }
0x27: {  	[tilespmem:s13], [sflag:$0x1] =	stream.indirect_vreg.gather [hbm4b:s1+s3], $0x80, v7, vm0, $0xb8;
	[tilespmem:$0x8180] =	vst v63  }
0x28: {  	v3 =	vperm.xlane v4, v2  }
0x29: {  	[tilespmem:s14], [sflag:$0x1] =	stream.indirect_vreg.gather [hbm4b:s6+s3], $0x80, v7, vm0, $0xb8;
	[tilespmem:$0x8180] =	vst v63  }
0x2a: {  	v3 =	vadd.s32 v1, v3  }
0x2b: {  	[tilespmem:s15], [sflag:$0x1] =	stream.indirect_vreg.gather [hbm4b:s7+s3], $0x80, v7, vm0, $0xb8;
	[tilespmem:$0x8180] =	vst v63  }
0x2c: {  	_ = 	snop  }
0x2d: {  	[tilespmem:s16], [sflag:$0x1] =	stream.indirect_vreg.gather [hbm4b:s8+s3], $0x80, v7, vm0, $0xb8;
	[tilespmem:$0x8180] =	vst v63  }
0x2e: {  	_ = 	snop  }
0x2f: {  	[tilespmem:s17], [sflag:$0x1] =	stream.indirect_vreg.gather [hbm4b:s1+s3], $0x80, v3, vm0, $0xb8;
	[tilespmem:$0x8180] =	vst v63  }
0x30: {  	_ = 	snop  }
0x31: {  	[tilespmem:s18], [sflag:$0x1] =	stream.indirect_vreg.gather [hbm4b:s6+s3], $0x80, v3, vm0, $0xb8;
	[tilespmem:$0x8180] =	vst v63  }
0x32: {  	_ = 	snop  }
0x33: {  	[tilespmem:s19], [sflag:$0x1] =	stream.indirect_vreg.gather [hbm4b:s7+s3], $0x80, v3, vm0, $0xb8;
	[tilespmem:$0x8180] =	vst v63  }
0x34: {  	_ = 	snop  }
0x35: {  	[tilespmem:s20], [sflag:$0x1] =	stream.indirect_vreg.gather [hbm4b:s8+s3], $0x80, v3, vm0, $0xb8;
	[tilespmem:$0x8180] =	vst v63  }
0x36: {  	v3 =	vld [tilespmem:$0x110];
	_ =	sdelay $0x4  }
0x37: {  	v63 =	vshll.u32 v3, $0x3  }
0x38: {  	v3 =	vand.u32 $0x7, v3;
	v4 =	vand.u32 $0xFFFFFFC0, v63  }
0x39: {  	v3 =	vor.u32 v3, v4  }
0x3a: {  	v4 =	vperm.xlane v3, v0;
	_ =	sdelay $0x1  }
0x3b: {  	v4 =	vadd.s32 v1, v4;
	_ =	sdelay $0x4  }
0x3c: {  	[tilespmem:s21], [sflag:$0x1] =	stream.indirect_vreg.gather [hbm4b:s1+s3], $0x80, v4, vm0, $0xb8;
	[tilespmem:$0x8180] =	vst v63  }
0x3d: {  	v3 =	vperm.xlane v3, v2  }
0x3e: {  	[tilespmem:s22], [sflag:$0x1] =	stream.indirect_vreg.gather [hbm4b:s6+s3], $0x80, v4, vm0, $0xb8;
	[tilespmem:$0x8180] =	vst v63  }
0x3f: {  	v3 =	vadd.s32 v1, v3  }
0x40: {  	[tilespmem:s23], [sflag:$0x1] =	stream.indirect_vreg.gather [hbm4b:s7+s3], $0x80, v4, vm0, $0xb8;
	[tilespmem:$0x8180] =	vst v63  }
0x41: {  	_ = 	snop  }
0x42: {  	[tilespmem:s24], [sflag:$0x1] =	stream.indirect_vreg.gather [hbm4b:s8+s3], $0x80, v4, vm0, $0xb8;
	[tilespmem:$0x8180] =	vst v63  }
0x43: {  	_ = 	snop  }
0x44: {  	[tilespmem:s25], [sflag:$0x1] =	stream.indirect_vreg.gather [hbm4b:s1+s3], $0x80, v3, vm0, $0xb8;
	[tilespmem:$0x8180] =	vst v63  }
0x45: {  	_ = 	snop  }
0x46: {  	[tilespmem:s26], [sflag:$0x1] =	stream.indirect_vreg.gather [hbm4b:s6+s3], $0x80, v3, vm0, $0xb8;
	[tilespmem:$0x8180] =	vst v63  }
0x47: {  	_ = 	snop  }
0x48: {  	[tilespmem:s28], [sflag:$0x1] =	stream.indirect_vreg.gather [hbm4b:s7+s3], $0x80, v3, vm0, $0xb8;
	[tilespmem:$0x8180] =	vst v63  }
0x49: {  	_ = 	snop  }
0x4a: {  	[tilespmem:s29], [sflag:$0x1] =	stream.indirect_vreg.gather [hbm4b:s8+s3], $0x80, v3, vm0, $0xb8;
	[tilespmem:$0x8180] =	vst v63  }
0x4b: {  	_ =	swait.ge [sflag:s30], $0x8000  }
0x4c: {  	p0 =	sne.s32 s10, $0x1;
	[sflag:s30] =	ssyncset.done $0x0  }
.Ltmp0:
0x4d: {  	[sflag:s30] =	ssyncadd.s32 $0xFFFF8000;
	(pc) =	sbr.rel @p0 .LBB2_1-.Ltmp0, $4  }
0x4e: {  	[hbm4b:s9+s3] =	stream.linear.scatter [tilespmem:s13], [sflag:$0x2], $0x8000, $0x38;
	[tilespmem:$0x8180] =	vst v63  }
0x4f: {  	_ =	swait.ge [sflag:s11], $0x8000  }
0x50: {  	[sflag:s11] =	ssyncset.done $0x0  }
0x51: {  	s10 =	sadd.s32 $0xFFFFFFFF, s10;
	[sflag:s11] =	ssyncadd.s32 $0xFFFF8000  }
0x52: {  	_ =	sfence.sel $0x180000  }
0x53: {  	[bflag:$0x0] =	sbarrier.arrive $0xFFFF  }
0x54: {  	p0 =	sne.s32 s2, $0x0;
	_ =	strace $0x90000047  }
0x55: {  	s0 =	sadd.s32 @!p0 $0x100000, s0;
	[bflag:$0x2] =	sbarrier.arrive $0xFFFF  }
0x56: {  	[sflag:s0] =	ssyncadd.tile.s32 @!p0 $0x1;
	_ =	shalt  }
.Lfunc_end2:
_tile_overlayer_lowered:
.L_overlay_start_2:
0x57: {  	(tag) =	ssettag $0x2  }
0x58: {  	s0 =	rddreg [dreg:$0x0];
	s2 =	stileid.u32  }
0x59: {  	s1 =	rddreg [dreg:$0x1];
	p0 =	sne.s32 s2, $0x0  }
0x5a: {  	s3 =	rddreg [dreg:$0x2];
	[bflag:$0x3] =	sbarrier.arrive $0xFFFF;
	s2 =	simm.s32 @!p0 $0x1C02  }
0x5b: {  	[timem:s3], [sflag:s2] =	dma.local @!p0 [hbm:s0], s1  }
0x5c: {  	s0 =	simm.s32 @!p0 $0x2  }
0x5d: {  	_ =	swait.ge @!p0 [sflag:s0], s1  }
0x5e: {  	s1 =	ssub.s32 @!p0 $0x0, s1;
	[sflag:s0] =	ssyncset.done @!p0 $0x0  }
0x5f: {  	[sflag:s0] =	ssyncadd.s32 @!p0 s1  }
0x60: {  	[bflag:$0x3] =	sbarrier.arrive $0xFFFF  }
0x61: {  	_ =	shalt  }

</sc_bundles>
